<compile_context>
chip_gen: v7x
topology: tpu7x:2x2x1
jax: 0.10.2.dev20260603
libtpu: 0.0.44.dev20260713+nightly
codegen_flags: <defaults>
</compile_context>

<pallas_src>
import functools

import jax
import jax.numpy as jnp
from jax import lax
from jax.experimental import pallas as pl
from jax.experimental.pallas import tpu as pltpu
from jax.experimental.pallas import tpu_sc as plsc

N_NODES = 10000
N_EDGES = 320000
IN_FEATS = 128
N_HIDDEN = 128
N_CLASSES = 41

D = 48
NP = 10240
NW = 32
GRP = 128
EPT = N_EDGES // NW
GB = 79
NTILE = 16
RPT = NP // NTILE
TPT = N_NODES // NTILE
NBUF = 4
PBM = 1000


def _proj_body(x_ref, w0_ref, b0_ref, w1_ref, c_ref, o_ref):
    h = jnp.dot(x_ref[...], w0_ref[...], preferred_element_type=jnp.float32)
    h = jnp.maximum(h + b0_ref[...], 0.0)
    o_ref[...] = (
        jnp.dot(h, w1_ref[...], preferred_element_type=jnp.float32) + c_ref[...]
    )


@functools.cache
def _sc_segment_sum():
    @functools.partial(
        pl.kernel,
        out_type=jax.ShapeDtypeStruct((2, NP, D), jnp.float32),
        mesh=plsc.VectorSubcoreMesh(core_axis_name="c", subcore_axis_name="s"),
        compiler_params=pltpu.CompilerParams(use_tc_tiling_on_sc=False),
        scratch_types=[
            pltpu.VMEM((GB * GRP,), jnp.int32),
            pltpu.VMEM((GB * GRP,), jnp.int32),
            pltpu.VMEM((NBUF, GRP, D), jnp.float32),
            pltpu.VMEM_SHARED((NP, D), jnp.float32),
            pltpu.VMEM_SHARED((N_NODES, D), jnp.float32),
            pltpu.SemaphoreType.DMA((NBUF,)),
        ],
    )
    def body_fn(gtab_hbm, eidx_hbm, zeros_hbm, out_hbm,
                src_v, dst_v, rows_v, acc_sh, gtab_sh, sem):
        c = lax.axis_index("c")
        s = lax.axis_index("s")
        wid = c * NTILE + s
        e0 = wid * EPT

        for k in range(EPT, GB * GRP, 16):
            src_v[pl.ds(k, 16)] = jnp.zeros((16,), jnp.int32)
            dst_v[pl.ds(k, 16)] = jnp.full((16,), N_NODES, jnp.int32)

        pltpu.sync_copy(zeros_hbm, acc_sh.at[pl.ds(s * RPT, RPT)])
        pltpu.sync_copy(gtab_hbm.at[pl.ds(s * TPT, TPT)],
                        gtab_sh.at[pl.ds(s * TPT, TPT)])
        pltpu.sync_copy(eidx_hbm.at[0, pl.ds(e0, EPT)], src_v.at[pl.ds(0, EPT)])
        pltpu.sync_copy(eidx_hbm.at[1, pl.ds(e0, EPT)], dst_v.at[pl.ds(0, EPT)])
        plsc.subcore_barrier()

        for k in range(NBUF):
            pltpu.async_copy(gtab_sh.at[src_v.at[pl.ds(k * GRP, GRP)]],
                             rows_v.at[k], sem.at[k])

        def body(j, carry):
            b = lax.rem(j, NBUF)
            pltpu.make_async_copy(
                gtab_sh.at[src_v.at[pl.ds(j * GRP, GRP)]], rows_v.at[b],
                sem.at[b]).wait()
            pltpu.sync_copy(rows_v.at[b],
                            acc_sh.at[dst_v.at[pl.ds(j * GRP, GRP)]],
                            add=True)

            @pl.when(j + NBUF < GB)
            def _():
                pltpu.async_copy(
                    gtab_sh.at[src_v.at[pl.ds((j + NBUF) * GRP, GRP)]],
                    rows_v.at[b], sem.at[b])

            return carry

        lax.fori_loop(0, GB, body, 0)
        plsc.subcore_barrier()
        pltpu.sync_copy(acc_sh.at[pl.ds(s * RPT, RPT)],
                        out_hbm.at[c, pl.ds(s * RPT, RPT)])

    return body_fn


def _finalize_body(acc_hbm, b1_ref, o_ref, acc_v, semf):
    pltpu.async_copy(acc_hbm, acc_v, semf).wait()
    t = acc_v[0, :N_NODES, :] + acc_v[1, :N_NODES, :]
    cnt = jnp.maximum(t[:, N_CLASSES:N_CLASSES + 1], 1.0)
    o_ref[...] = t[:, :N_CLASSES] / cnt + b1_ref[...]


def kernel(x, edge_index, W0, b0, W1, b1):
    eidx = edge_index.astype(jnp.int32)

    w0t = W0.T
    b0r = b0.reshape(1, N_HIDDEN)
    w1t = jnp.zeros((N_HIDDEN, D), jnp.float32).at[:, :N_CLASSES].set(W1.T)
    crow = jnp.zeros((1, D), jnp.float32).at[0, N_CLASSES].set(1.0)

    gtab = pl.pallas_call(
        _proj_body,
        grid=(N_NODES // PBM,),
        in_specs=[
            pl.BlockSpec((PBM, IN_FEATS), lambda i: (i, 0)),
            pl.BlockSpec((IN_FEATS, N_HIDDEN), lambda i: (0, 0)),
            pl.BlockSpec((1, N_HIDDEN), lambda i: (0, 0)),
            pl.BlockSpec((N_HIDDEN, D), lambda i: (0, 0)),
            pl.BlockSpec((1, D), lambda i: (0, 0)),
        ],
        out_specs=pl.BlockSpec((PBM, D), lambda i: (i, 0)),
        out_shape=jax.ShapeDtypeStruct((N_NODES, D), jnp.float32),
    )(x, w0t, b0r, w1t, crow)

    zeros_blk = jnp.zeros((RPT, D), jnp.float32)
    acc2 = _sc_segment_sum()(gtab, eidx, zeros_blk)

    out = pl.pallas_call(
        _finalize_body,
        in_specs=[
            pl.BlockSpec(memory_space=pl.ANY),
            pl.BlockSpec((1, N_CLASSES), lambda: (0, 0)),
        ],
        out_specs=pl.BlockSpec((N_NODES, N_CLASSES), lambda: (0, 0)),
        out_shape=jax.ShapeDtypeStruct((N_NODES, N_CLASSES), jnp.float32),
        scratch_shapes=[
            pltpu.VMEM((2, NP, D), jnp.float32),
            pltpu.SemaphoreType.DMA,
        ],
    )(acc2, b1.reshape(1, N_CLASSES))
    return out

# --- scband reference (transcript-rebuilt; emitter-appended) ---
"""Pipeline reference for scband-gcnsampling-30322469110460 (READ-ONLY COPY).

The authoritative reference and input builder live on the scoring server;
editing this copy changes nothing except your own understanding.
"""

import jax, jax.numpy as jnp
import numpy as np

N_NODES = 10000
N_EDGES = 320000
IN_FEATS = 128
N_HIDDEN = 128
N_CLASSES = 41


def setup_inputs(seed: int = 0) -> dict:
    key = jax.random.key(seed)
    k_x, k_e, k_w0, k_b0, k_w1, k_b1 = jax.random.split(key, 6)
    x = jax.random.normal(k_x, (N_NODES, IN_FEATS), dtype=jnp.float32)
    edge_index = jax.random.randint(k_e, (2, N_EDGES), 0, N_NODES, dtype=jnp.int64)
    # torch nn.Linear init-style params: W[out, in], b[out]
    s0 = 1.0 / np.sqrt(IN_FEATS)
    W0 = jax.random.uniform(k_w0, (N_HIDDEN, IN_FEATS), dtype=jnp.float32, minval=-s0, maxval=s0)
    b0 = jax.random.uniform(k_b0, (N_HIDDEN,), dtype=jnp.float32, minval=-s0, maxval=s0)
    s1 = 1.0 / np.sqrt(N_HIDDEN)
    W1 = jax.random.uniform(k_w1, (N_CLASSES, N_HIDDEN), dtype=jnp.float32, minval=-s1, maxval=s1)
    b1 = jax.random.uniform(k_b1, (N_CLASSES,), dtype=jnp.float32, minval=-s1, maxval=s1)
    return {"x": x, "edge_index": edge_index, "W0": W0, "b0": b0, "W1": W1, "b1": b1}


def reference(x, edge_index, W0, b0, W1, b1):
    # GCNSampling with n_layers=1 (eval mode, dropout off):
    # layer 0: node-wise NodeUpdate (linear + relu activation) applied to features
    h = x @ W0.T + b0
    h = jnp.maximum(h, 0.0)  # relu activation
    # layer 1 (block_compute): copy_src messages, mailbox mean reduce, then
    # NodeUpdate (linear, no activation) -> class logits
    src = edge_index[0]
    dst = edge_index[1]
    msgs = h[src]  # gather source features along edges
    summed = jax.ops.segment_sum(msgs, dst, num_segments=N_NODES)
    counts = jax.ops.segment_sum(jnp.ones((msgs.shape[0],), dtype=h.dtype), dst, num_segments=N_NODES)
    mean_h = summed / jnp.maximum(counts, 1.0)[:, None]
    out = mean_h @ W1.T + b1
    return out

if __name__ == "__main__":
    import jax
    _d = setup_inputs()
    print(jax.jit(kernel)(*tuple(_d.values())))

</pallas_src>

<mosaic_0001>
#map = affine_map<(d0, d1) -> (0, 0)>
#map1 = affine_map<(d0, d1) -> (0, 0, 0)>
module attributes {stable_mosaic.version = 14 : i64} {
  func.func @body_fn(%arg0: i32, %arg1: i32, %arg2: memref<10000x48xf32, #tpu.memory_space<hbm>>, %arg3: memref<2x320000xi32, #tpu.memory_space<hbm>>, %arg4: memref<640x48xf32, #tpu.memory_space<hbm>>, %arg5: memref<2x10240x48xf32, #tpu.memory_space<hbm>>, %arg6: memref<10112xi32, #tpu.memory_space<vmem>>, %arg7: memref<10112xi32, #tpu.memory_space<vmem>>, %arg8: memref<4x128x48xf32, #tpu.memory_space<vmem>>, %arg9: memref<10240x48xf32, #tpu.memory_space<vmem_shared>>, %arg10: memref<10000x48xf32, #tpu.memory_space<vmem_shared>>, %arg11: memref<4x!tpu.dma_semaphore, #tpu.memory_space<semaphore_mem>>) attributes {dimension_semantics = [#tpu.dimension_semantics<core_parallel>, #tpu.dimension_semantics<subcore_parallel>], iteration_bounds = array<i64: 2, 16>, scalar_prefetch = 0 : i64, scratch_operands = 6 : i64, tpu.core_type = #tpu.core_type<sc_vector_subcore>, window_params = [{transform_indices = #map}, {transform_indices = #map}, {transform_indices = #map}, {transform_indices = #map1}]} {
    %mul3A = arith.constant 16 : i32
    %mul3A_0 = arith.muli %arg0, %mul3A : i32
    %add3A = arith.addi %mul3A_0, %arg1 : i32
    %mul3A_1 = arith.constant 10000 : i32
    %mul3A_2 = arith.muli %add3A, %mul3A_1 : i32
    %broadcast_in_dim3A = arith.constant 0 : i32
    %broadcast_in_dim3A_3 = vector.broadcast %broadcast_in_dim3A : i32 to vector<16xi32>
    %swap3A = arith.constant 10000 : index
    %swap3A_4 = tpu.vector_load %arg6[%swap3A] {strides = array<i32>} : memref<10112xi32, #tpu.memory_space<vmem>>, vector<16xi32>,
    %swap3A_5 = vector.shape_cast %swap3A_4 : vector<16xi32> to vector<16xi32>
    %swap3A_6 = vector.shape_cast %broadcast_in_dim3A_3 : vector<16xi32> to vector<16xi32>
    tpu.vector_store %arg6[%swap3A], %swap3A_6 {strides = array<i32>} : memref<10112xi32, #tpu.memory_space<vmem>>, vector<16xi32>,
    %broadcast_in_dim3A_7 = arith.constant 10000 : i32
    %broadcast_in_dim3A_8 = vector.broadcast %broadcast_in_dim3A_7 : i32 to vector<16xi32>
    %swap3A_9 = arith.constant 10000 : index
    %swap3A_10 = tpu.vector_load %arg7[%swap3A_9] {strides = array<i32>} : memref<10112xi32, #tpu.memory_space<vmem>>, vector<16xi32>,
    %swap3A_11 = vector.shape_cast %swap3A_10 : vector<16xi32> to vector<16xi32>
    %swap3A_12 = vector.shape_cast %broadcast_in_dim3A_8 : vector<16xi32> to vector<16xi32>
    tpu.vector_store %arg7[%swap3A_9], %swap3A_12 {strides = array<i32>} : memref<10112xi32, #tpu.memory_space<vmem>>, vector<16xi32>,
    %broadcast_in_dim3A_13 = arith.constant 0 : i32
    %broadcast_in_dim3A_14 = vector.broadcast %broadcast_in_dim3A_13 : i32 to vector<16xi32>
    %swap3A_15 = arith.constant 10016 : index
    %swap3A_16 = tpu.vector_load %arg6[%swap3A_15] {strides = array<i32>} : memref<10112xi32, #tpu.memory_space<vmem>>, vector<16xi32>,
    %swap3A_17 = vector.shape_cast %swap3A_16 : vector<16xi32> to vector<16xi32>
    %swap3A_18 = vector.shape_cast %broadcast_in_dim3A_14 : vector<16xi32> to vector<16xi32>
    tpu.vector_store %arg6[%swap3A_15], %swap3A_18 {strides = array<i32>} : memref<10112xi32, #tpu.memory_space<vmem>>, vector<16xi32>,
    %broadcast_in_dim3A_19 = arith.constant 10000 : i32
    %broadcast_in_dim3A_20 = vector.broadcast %broadcast_in_dim3A_19 : i32 to vector<16xi32>
    %swap3A_21 = arith.constant 10016 : index
    %swap3A_22 = tpu.vector_load %arg7[%swap3A_21] {strides = array<i32>} : memref<10112xi32, #tpu.memory_space<vmem>>, vector<16xi32>,
    %swap3A_23 = vector.shape_cast %swap3A_22 : vector<16xi32> to vector<16xi32>
    %swap3A_24 = vector.shape_cast %broadcast_in_dim3A_20 : vector<16xi32> to vector<16xi32>
    tpu.vector_store %arg7[%swap3A_21], %swap3A_24 {strides = array<i32>} : memref<10112xi32, #tpu.memory_space<vmem>>, vector<16xi32>,
    %broadcast_in_dim3A_25 = arith.constant 0 : i32
    %broadcast_in_dim3A_26 = vector.broadcast %broadcast_in_dim3A_25 : i32 to vector<16xi32>
    %swap3A_27 = arith.constant 10032 : index
    %swap3A_28 = tpu.vector_load %arg6[%swap3A_27] {strides = array<i32>} : memref<10112xi32, #tpu.memory_space<vmem>>, vector<16xi32>,
    %swap3A_29 = vector.shape_cast %swap3A_28 : vector<16xi32> to vector<16xi32>
    %swap3A_30 = vector.shape_cast %broadcast_in_dim3A_26 : vector<16xi32> to vector<16xi32>
    tpu.vector_store %arg6[%swap3A_27], %swap3A_30 {strides = array<i32>} : memref<10112xi32, #tpu.memory_space<vmem>>, vector<16xi32>,
    %broadcast_in_dim3A_31 = arith.constant 10000 : i32
    %broadcast_in_dim3A_32 = vector.broadcast %broadcast_in_dim3A_31 : i32 to vector<16xi32>
    %swap3A_33 = arith.constant 10032 : index
    %swap3A_34 = tpu.vector_load %arg7[%swap3A_33] {strides = array<i32>} : memref<10112xi32, #tpu.memory_space<vmem>>, vector<16xi32>,
    %swap3A_35 = vector.shape_cast %swap3A_34 : vector<16xi32> to vector<16xi32>
    %swap3A_36 = vector.shape_cast %broadcast_in_dim3A_32 : vector<16xi32> to vector<16xi32>
    tpu.vector_store %arg7[%swap3A_33], %swap3A_36 {strides = array<i32>} : memref<10112xi32, #tpu.memory_space<vmem>>, vector<16xi32>,
    %broadcast_in_dim3A_37 = arith.constant 0 : i32
    %broadcast_in_dim3A_38 = vector.broadcast %broadcast_in_dim3A_37 : i32 to vector<16xi32>
    %swap3A_39 = arith.constant 10048 : index
    %swap3A_40 = tpu.vector_load %arg6[%swap3A_39] {strides = array<i32>} : memref<10112xi32, #tpu.memory_space<vmem>>, vector<16xi32>,
    %swap3A_41 = vector.shape_cast %swap3A_40 : vector<16xi32> to vector<16xi32>
    %swap3A_42 = vector.shape_cast %broadcast_in_dim3A_38 : vector<16xi32> to vector<16xi32>
    tpu.vector_store %arg6[%swap3A_39], %swap3A_42 {strides = array<i32>} : memref<10112xi32, #tpu.memory_space<vmem>>, vector<16xi32>,
    %broadcast_in_dim3A_43 = arith.constant 10000 : i32
    %broadcast_in_dim3A_44 = vector.broadcast %broadcast_in_dim3A_43 : i32 to vector<16xi32>
    %swap3A_45 = arith.constant 10048 : index
    %swap3A_46 = tpu.vector_load %arg7[%swap3A_45] {strides = array<i32>} : memref<10112xi32, #tpu.memory_space<vmem>>, vector<16xi32>,
    %swap3A_47 = vector.shape_cast %swap3A_46 : vector<16xi32> to vector<16xi32>
    %swap3A_48 = vector.shape_cast %broadcast_in_dim3A_44 : vector<16xi32> to vector<16xi32>
    tpu.vector_store %arg7[%swap3A_45], %swap3A_48 {strides = array<i32>} : memref<10112xi32, #tpu.memory_space<vmem>>, vector<16xi32>,
    %broadcast_in_dim3A_49 = arith.constant 0 : i32
    %broadcast_in_dim3A_50 = vector.broadcast %broadcast_in_dim3A_49 : i32 to vector<16xi32>
    %swap3A_51 = arith.constant 10064 : index
    %swap3A_52 = tpu.vector_load %arg6[%swap3A_51] {strides = array<i32>} : memref<10112xi32, #tpu.memory_space<vmem>>, vector<16xi32>,
    %swap3A_53 = vector.shape_cast %swap3A_52 : vector<16xi32> to vector<16xi32>
    %swap3A_54 = vector.shape_cast %broadcast_in_dim3A_50 : vector<16xi32> to vector<16xi32>
    tpu.vector_store %arg6[%swap3A_51], %swap3A_54 {strides = array<i32>} : memref<10112xi32, #tpu.memory_space<vmem>>, vector<16xi32>,
    %broadcast_in_dim3A_55 = arith.constant 10000 : i32
    %broadcast_in_dim3A_56 = vector.broadcast %broadcast_in_dim3A_55 : i32 to vector<16xi32>
    %swap3A_57 = arith.constant 10064 : index
    %swap3A_58 = tpu.vector_load %arg7[%swap3A_57] {strides = array<i32>} : memref<10112xi32, #tpu.memory_space<vmem>>, vector<16xi32>,
    %swap3A_59 = vector.shape_cast %swap3A_58 : vector<16xi32> to vector<16xi32>
    %swap3A_60 = vector.shape_cast %broadcast_in_dim3A_56 : vector<16xi32> to vector<16xi32>
    tpu.vector_store %arg7[%swap3A_57], %swap3A_60 {strides = array<i32>} : memref<10112xi32, #tpu.memory_space<vmem>>, vector<16xi32>,
    %broadcast_in_dim3A_61 = arith.constant 0 : i32
    %broadcast_in_dim3A_62 = vector.broadcast %broadcast_in_dim3A_61 : i32 to vector<16xi32>
    %swap3A_63 = arith.constant 10080 : index
    %swap3A_64 = tpu.vector_load %arg6[%swap3A_63] {strides = array<i32>} : memref<10112xi32, #tpu.memory_space<vmem>>, vector<16xi32>,
    %swap3A_65 = vector.shape_cast %swap3A_64 : vector<16xi32> to vector<16xi32>
    %swap3A_66 = vector.shape_cast %broadcast_in_dim3A_62 : vector<16xi32> to vector<16xi32>
    tpu.vector_store %arg6[%swap3A_63], %swap3A_66 {strides = array<i32>} : memref<10112xi32, #tpu.memory_space<vmem>>, vector<16xi32>,
    %broadcast_in_dim3A_67 = arith.constant 10000 : i32
    %broadcast_in_dim3A_68 = vector.broadcast %broadcast_in_dim3A_67 : i32 to vector<16xi32>
    %swap3A_69 = arith.constant 10080 : index
    %swap3A_70 = tpu.vector_load %arg7[%swap3A_69] {strides = array<i32>} : memref<10112xi32, #tpu.memory_space<vmem>>, vector<16xi32>,
    %swap3A_71 = vector.shape_cast %swap3A_70 : vector<16xi32> to vector<16xi32>
    %swap3A_72 = vector.shape_cast %broadcast_in_dim3A_68 : vector<16xi32> to vector<16xi32>
    tpu.vector_store %arg7[%swap3A_69], %swap3A_72 {strides = array<i32>} : memref<10112xi32, #tpu.memory_space<vmem>>, vector<16xi32>,
    %broadcast_in_dim3A_73 = arith.constant 0 : i32
    %broadcast_in_dim3A_74 = vector.broadcast %broadcast_in_dim3A_73 : i32 to vector<16xi32>
    %swap3A_75 = arith.constant 10096 : index
    %swap3A_76 = tpu.vector_load %arg6[%swap3A_75] {strides = array<i32>} : memref<10112xi32, #tpu.memory_space<vmem>>, vector<16xi32>,
    %swap3A_77 = vector.shape_cast %swap3A_76 : vector<16xi32> to vector<16xi32>
    %swap3A_78 = vector.shape_cast %broadcast_in_dim3A_74 : vector<16xi32> to vector<16xi32>
    tpu.vector_store %arg6[%swap3A_75], %swap3A_78 {strides = array<i32>} : memref<10112xi32, #tpu.memory_space<vmem>>, vector<16xi32>,
    %broadcast_in_dim3A_79 = arith.constant 10000 : i32
    %broadcast_in_dim3A_80 = vector.broadcast %broadcast_in_dim3A_79 : i32 to vector<16xi32>
    %swap3A_81 = arith.constant 10096 : index
    %swap3A_82 = tpu.vector_load %arg7[%swap3A_81] {strides = array<i32>} : memref<10112xi32, #tpu.memory_space<vmem>>, vector<16xi32>,
    %swap3A_83 = vector.shape_cast %swap3A_82 : vector<16xi32> to vector<16xi32>
    %swap3A_84 = vector.shape_cast %broadcast_in_dim3A_80 : vector<16xi32> to vector<16xi32>
    tpu.vector_store %arg7[%swap3A_81], %swap3A_84 {strides = array<i32>} : memref<10112xi32, #tpu.memory_space<vmem>>, vector<16xi32>,
    %mul3A_85 = arith.constant 640 : i32
    %mul3A_86 = arith.muli %arg1, %mul3A_85 : i32
    "tpu.region"() ({
      %run_scoped3A_153 = tpu.sem_alloc : memref<!tpu.dma_semaphore, #tpu.memory_space<semaphore_mem>>
      %dma_start3A_154 = arith.constant 0 : i32
      %dma_start3A_155 = tpu.memref_slice %arg9[%mul3A_86, %dma_start3A_154] : memref<10240x48xf32, #tpu.memory_space<vmem_shared>> -> memref<640x48xf32, #tpu.memory_space<vmem_shared>>
      tpu.enqueue_dma source(%arg4 : memref<640x48xf32, #tpu.memory_space<hbm>>) target(%dma_start3A_155 : memref<640x48xf32, #tpu.memory_space<vmem_shared>>) target_semaphore(%run_scoped3A_153 : memref<!tpu.dma_semaphore, #tpu.memory_space<semaphore_mem>>)
      %dma_wait3A = arith.constant 0 : i32
      %dma_wait3A_156 = tpu.memref_slice %arg9[%mul3A_86, %dma_wait3A] : memref<10240x48xf32, #tpu.memory_space<vmem_shared>> -> memref<640x48xf32, #tpu.memory_space<vmem_shared>>
      tpu.wait_dma2 semaphore(%run_scoped3A_153 : memref<!tpu.dma_semaphore, #tpu.memory_space<semaphore_mem>>) src(%arg4 : memref<640x48xf32, #tpu.memory_space<hbm>>) dst(%dma_wait3A_156 : memref<640x48xf32, #tpu.memory_space<vmem_shared>>)
      tpu.yield
    }) : () -> ()
    %mul3A_87 = arith.constant 625 : i32
    %mul3A_88 = arith.muli %arg1, %mul3A_87 : i32
    %mul3A_89 = arith.constant 625 : i32
    %mul3A_90 = arith.muli %arg1, %mul3A_89 : i32
    "tpu.region"() ({
      %run_scoped3A_153 = tpu.sem_alloc : memref<!tpu.dma_semaphore, #tpu.memory_space<semaphore_mem>>
      %dma_start3A_154 = arith.constant 0 : i32
      %dma_start3A_155 = tpu.memref_slice %arg10[%mul3A_90, %dma_start3A_154] : memref<10000x48xf32, #tpu.memory_space<vmem_shared>> -> memref<625x48xf32, #tpu.memory_space<vmem_shared>>
      %dma_start3A_156 = arith.constant 0 : i32
      %dma_start3A_157 = tpu.memref_slice %arg2[%mul3A_88, %dma_start3A_156] : memref<10000x48xf32, #tpu.memory_space<hbm>> -> memref<625x48xf32, #tpu.memory_space<hbm>>
      tpu.enqueue_dma source(%dma_start3A_157 : memref<625x48xf32, #tpu.memory_space<hbm>>) target(%dma_start3A_155 : memref<625x48xf32, #tpu.memory_space<vmem_shared>>) target_semaphore(%run_scoped3A_153 : memref<!tpu.dma_semaphore, #tpu.memory_space<semaphore_mem>>)
      %dma_wait3A = arith.constant 0 : i32
      %dma_wait3A_158 = tpu.memref_slice %arg10[%mul3A_90, %dma_wait3A] : memref<10000x48xf32, #tpu.memory_space<vmem_shared>> -> memref<625x48xf32, #tpu.memory_space<vmem_shared>>
      %dma_wait3A_159 = arith.constant 0 : i32
      %dma_wait3A_160 = tpu.memref_slice %arg2[%mul3A_88, %dma_wait3A_159] : memref<10000x48xf32, #tpu.memory_space<hbm>> -> memref<625x48xf32, #tpu.memory_space<hbm>>
      tpu.wait_dma2 semaphore(%run_scoped3A_153 : memref<!tpu.dma_semaphore, #tpu.memory_space<semaphore_mem>>) src(%dma_wait3A_160 : memref<625x48xf32, #tpu.memory_space<hbm>>) dst(%dma_wait3A_158 : memref<625x48xf32, #tpu.memory_space<vmem_shared>>)
      tpu.yield
    }) : () -> ()
    %run_scoped3A = arith.constant 0 : i32
    "tpu.region"() ({
      %run_scoped3A_153 = tpu.sem_alloc : memref<!tpu.dma_semaphore, #tpu.memory_space<semaphore_mem>>
      %dma_start3A_154 = arith.constant 0 : i32
      %dma_start3A_155 = tpu.memref_slice %arg6[%dma_start3A_154] : memref<10112xi32, #tpu.memory_space<vmem>> -> memref<10000xi32, #tpu.memory_space<vmem>>
      %dma_start3A_156 = tpu.memref_slice %arg3[%run_scoped3A, %mul3A_2] : memref<2x320000xi32, #tpu.memory_space<hbm>> -> memref<1x10000xi32, #tpu.memory_space<hbm>>
      %dma_start3A_157 = tpu.memref_squeeze %dma_start3A_156 : memref<1x10000xi32, #tpu.memory_space<hbm>> -> memref<10000xi32, #tpu.memory_space<hbm>>
      %dma_start3A_158 = arith.constant 0 : i32
      %dma_start3A_159 = tpu.memref_slice %arg6[%dma_start3A_158] : memref<10112xi32, #tpu.memory_space<vmem>> -> memref<10000xi32, #tpu.memory_space<vmem>>
      %dma_start3A_160 = tpu.memref_slice %arg3[%run_scoped3A, %mul3A_2] : memref<2x320000xi32, #tpu.memory_space<hbm>> -> memref<1x10000xi32, #tpu.memory_space<hbm>>
      %dma_start3A_161 = tpu.memref_squeeze %dma_start3A_160 : memref<1x10000xi32, #tpu.memory_space<hbm>> -> memref<10000xi32, #tpu.memory_space<hbm>>
      tpu.enqueue_dma source(%dma_start3A_161 : memref<10000xi32, #tpu.memory_space<hbm>>) target(%dma_start3A_159 : memref<10000xi32, #tpu.memory_space<vmem>>) target_semaphore(%run_scoped3A_153 : memref<!tpu.dma_semaphore, #tpu.memory_space<semaphore_mem>>)
      %dma_wait3A = arith.constant 0 : i32
      %dma_wait3A_162 = tpu.memref_slice %arg6[%dma_wait3A] : memref<10112xi32, #tpu.memory_space<vmem>> -> memref<10000xi32, #tpu.memory_space<vmem>>
      %dma_wait3A_163 = tpu.memref_slice %arg3[%run_scoped3A, %mul3A_2] : memref<2x320000xi32, #tpu.memory_space<hbm>> -> memref<1x10000xi32, #tpu.memory_space<hbm>>
      %dma_wait3A_164 = tpu.memref_squeeze %dma_wait3A_163 : memref<1x10000xi32, #tpu.memory_space<hbm>> -> memref<10000xi32, #tpu.memory_space<hbm>>
      %dma_wait3A_165 = arith.constant 0 : i32
      %dma_wait3A_166 = tpu.memref_slice %arg6[%dma_wait3A_165] : memref<10112xi32, #tpu.memory_space<vmem>> -> memref<10000xi32, #tpu.memory_space<vmem>>
      %dma_wait3A_167 = tpu.memref_slice %arg3[%run_scoped3A, %mul3A_2] : memref<2x320000xi32, #tpu.memory_space<hbm>> -> memref<1x10000xi32, #tpu.memory_space<hbm>>
      %dma_wait3A_168 = tpu.memref_squeeze %dma_wait3A_167 : memref<1x10000xi32, #tpu.memory_space<hbm>> -> memref<10000xi32, #tpu.memory_space<hbm>>
      tpu.wait_dma2 semaphore(%run_scoped3A_153 : memref<!tpu.dma_semaphore, #tpu.memory_space<semaphore_mem>>) src(%dma_wait3A_168 : memref<10000xi32, #tpu.memory_space<hbm>>) dst(%dma_wait3A_166 : memref<10000xi32, #tpu.memory_space<vmem>>)
      tpu.yield
    }) : () -> ()
    %run_scoped3A_91 = arith.constant 1 : i32
    "tpu.region"() ({
      %run_scoped3A_153 = tpu.sem_alloc : memref<!tpu.dma_semaphore, #tpu.memory_space<semaphore_mem>>
      %dma_start3A_154 = arith.constant 0 : i32
      %dma_start3A_155 = tpu.memref_slice %arg7[%dma_start3A_154] : memref<10112xi32, #tpu.memory_space<vmem>> -> memref<10000xi32, #tpu.memory_space<vmem>>
      %dma_start3A_156 = tpu.memref_slice %arg3[%run_scoped3A_91, %mul3A_2] : memref<2x320000xi32, #tpu.memory_space<hbm>> -> memref<1x10000xi32, #tpu.memory_space<hbm>>
      %dma_start3A_157 = tpu.memref_squeeze %dma_start3A_156 : memref<1x10000xi32, #tpu.memory_space<hbm>> -> memref<10000xi32, #tpu.memory_space<hbm>>
      %dma_start3A_158 = arith.constant 0 : i32
      %dma_start3A_159 = tpu.memref_slice %arg7[%dma_start3A_158] : memref<10112xi32, #tpu.memory_space<vmem>> -> memref<10000xi32, #tpu.memory_space<vmem>>
      %dma_start3A_160 = tpu.memref_slice %arg3[%run_scoped3A_91, %mul3A_2] : memref<2x320000xi32, #tpu.memory_space<hbm>> -> memref<1x10000xi32, #tpu.memory_space<hbm>>
      %dma_start3A_161 = tpu.memref_squeeze %dma_start3A_160 : memref<1x10000xi32, #tpu.memory_space<hbm>> -> memref<10000xi32, #tpu.memory_space<hbm>>
      tpu.enqueue_dma source(%dma_start3A_161 : memref<10000xi32, #tpu.memory_space<hbm>>) target(%dma_start3A_159 : memref<10000xi32, #tpu.memory_space<vmem>>) target_semaphore(%run_scoped3A_153 : memref<!tpu.dma_semaphore, #tpu.memory_space<semaphore_mem>>)
      %dma_wait3A = arith.constant 0 : i32
      %dma_wait3A_162 = tpu.memref_slice %arg7[%dma_wait3A] : memref<10112xi32, #tpu.memory_space<vmem>> -> memref<10000xi32, #tpu.memory_space<vmem>>
      %dma_wait3A_163 = tpu.memref_slice %arg3[%run_scoped3A_91, %mul3A_2] : memref<2x320000xi32, #tpu.memory_space<hbm>> -> memref<1x10000xi32, #tpu.memory_space<hbm>>
      %dma_wait3A_164 = tpu.memref_squeeze %dma_wait3A_163 : memref<1x10000xi32, #tpu.memory_space<hbm>> -> memref<10000xi32, #tpu.memory_space<hbm>>
      %dma_wait3A_165 = arith.constant 0 : i32
      %dma_wait3A_166 = tpu.memref_slice %arg7[%dma_wait3A_165] : memref<10112xi32, #tpu.memory_space<vmem>> -> memref<10000xi32, #tpu.memory_space<vmem>>
      %dma_wait3A_167 = tpu.memref_slice %arg3[%run_scoped3A_91, %mul3A_2] : memref<2x320000xi32, #tpu.memory_space<hbm>> -> memref<1x10000xi32, #tpu.memory_space<hbm>>
      %dma_wait3A_168 = tpu.memref_squeeze %dma_wait3A_167 : memref<1x10000xi32, #tpu.memory_space<hbm>> -> memref<10000xi32, #tpu.memory_space<hbm>>
      tpu.wait_dma2 semaphore(%run_scoped3A_153 : memref<!tpu.dma_semaphore, #tpu.memory_space<semaphore_mem>>) src(%dma_wait3A_168 : memref<10000xi32, #tpu.memory_space<hbm>>) dst(%dma_wait3A_166 : memref<10000xi32, #tpu.memory_space<vmem>>)
      tpu.yield
    }) : () -> ()
    %barrier3A = arith.constant 0 : index
    tpu.barrier barrier_id(%barrier3A)
    %dma_start3A = arith.constant 0 : i32
    %dma_start3A_92 = arith.constant 0 : i32
    %dma_start3A_93 = arith.constant 0 : i32
    %dma_start3A_94 = arith.constant 0 : i32
    %dma_start3A_95 = tpu.memref_slice %arg8[%dma_start3A, %dma_start3A_93, %dma_start3A_94] : memref<4x128x48xf32, #tpu.memory_space<vmem>> -> memref<1x128x48xf32, #tpu.memory_space<vmem>>
    %dma_start3A_96 = tpu.memref_squeeze %dma_start3A_95 : memref<1x128x48xf32, #tpu.memory_space<vmem>> -> memref<128x48xf32, #tpu.memory_space<vmem>>
    %dma_start3A_97 = arith.constant 0 : i32
    %dma_start3A_98 = tpu.memref_slice %arg6[%dma_start3A_97] : memref<10112xi32, #tpu.memory_space<vmem>> -> memref<128xi32, #tpu.memory_space<vmem>>
    %dma_start3A_99 = arith.constant 0 : i32
    %dma_start3A_100 = arith.constant 0 : i32
    %dma_start3A_101 = tpu.memref_slice %arg10[%dma_start3A_99, %dma_start3A_100] : memref<10000x48xf32, #tpu.memory_space<vmem_shared>> -> memref<10000x48xf32, #tpu.memory_space<vmem_shared>>
    %dma_start3A_102 = tpu.memref_slice %arg11[%dma_start3A_92] : memref<4x!tpu.dma_semaphore, #tpu.memory_space<semaphore_mem>> -> memref<1x!tpu.dma_semaphore, #tpu.memory_space<semaphore_mem>>
    %dma_start3A_103 = tpu.memref_squeeze %dma_start3A_102 : memref<1x!tpu.dma_semaphore, #tpu.memory_space<semaphore_mem>> -> memref<!tpu.dma_semaphore, #tpu.memory_space<semaphore_mem>>
    tpu.enqueue_indirect_dma source(%dma_start3A_101 : memref<10000x48xf32, #tpu.memory_space<vmem_shared>>) target(%dma_start3A_96 : memref<128x48xf32, #tpu.memory_space<vmem>>) offsets(%dma_start3A_98 : memref<128xi32, #tpu.memory_space<vmem>>) semaphore(%dma_start3A_103 : memref<!tpu.dma_semaphore, #tpu.memory_space<semaphore_mem>>)
    %dma_start3A_104 = arith.constant 1 : i32
    %dma_start3A_105 = arith.constant 1 : i32
    %dma_start3A_106 = arith.constant 0 : i32
    %dma_start3A_107 = arith.constant 0 : i32
    %dma_start3A_108 = tpu.memref_slice %arg8[%dma_start3A_104, %dma_start3A_106, %dma_start3A_107] : memref<4x128x48xf32, #tpu.memory_space<vmem>> -> memref<1x128x48xf32, #tpu.memory_space<vmem>>
    %dma_start3A_109 = tpu.memref_squeeze %dma_start3A_108 : memref<1x128x48xf32, #tpu.memory_space<vmem>> -> memref<128x48xf32, #tpu.memory_space<vmem>>
    %dma_start3A_110 = arith.constant 128 : i32
    %dma_start3A_111 = tpu.memref_slice %arg6[%dma_start3A_110] : memref<10112xi32, #tpu.memory_space<vmem>> -> memref<128xi32, #tpu.memory_space<vmem>>
    %dma_start3A_112 = arith.constant 0 : i32
    %dma_start3A_113 = arith.constant 0 : i32
    %dma_start3A_114 = tpu.memref_slice %arg10[%dma_start3A_112, %dma_start3A_113] : memref<10000x48xf32, #tpu.memory_space<vmem_shared>> -> memref<10000x48xf32, #tpu.memory_space<vmem_shared>>
    %dma_start3A_115 = tpu.memref_slice %arg11[%dma_start3A_105] : memref<4x!tpu.dma_semaphore, #tpu.memory_space<semaphore_mem>> -> memref<1x!tpu.dma_semaphore, #tpu.memory_space<semaphore_mem>>
    %dma_start3A_116 = tpu.memref_squeeze %dma_start3A_115 : memref<1x!tpu.dma_semaphore, #tpu.memory_space<semaphore_mem>> -> memref<!tpu.dma_semaphore, #tpu.memory_space<semaphore_mem>>
    tpu.enqueue_indirect_dma source(%dma_start3A_114 : memref<10000x48xf32, #tpu.memory_space<vmem_shared>>) target(%dma_start3A_109 : memref<128x48xf32, #tpu.memory_space<vmem>>) offsets(%dma_start3A_111 : memref<128xi32, #tpu.memory_space<vmem>>) semaphore(%dma_start3A_116 : memref<!tpu.dma_semaphore, #tpu.memory_space<semaphore_mem>>)
    %dma_start3A_117 = arith.constant 2 : i32
    %dma_start3A_118 = arith.constant 2 : i32
    %dma_start3A_119 = arith.constant 0 : i32
    %dma_start3A_120 = arith.constant 0 : i32
    %dma_start3A_121 = tpu.memref_slice %arg8[%dma_start3A_117, %dma_start3A_119, %dma_start3A_120] : memref<4x128x48xf32, #tpu.memory_space<vmem>> -> memref<1x128x48xf32, #tpu.memory_space<vmem>>
    %dma_start3A_122 = tpu.memref_squeeze %dma_start3A_121 : memref<1x128x48xf32, #tpu.memory_space<vmem>> -> memref<128x48xf32, #tpu.memory_space<vmem>>
    %dma_start3A_123 = arith.constant 256 : i32
    %dma_start3A_124 = tpu.memref_slice %arg6[%dma_start3A_123] : memref<10112xi32, #tpu.memory_space<vmem>> -> memref<128xi32, #tpu.memory_space<vmem>>
    %dma_start3A_125 = arith.constant 0 : i32
    %dma_start3A_126 = arith.constant 0 : i32
    %dma_start3A_127 = tpu.memref_slice %arg10[%dma_start3A_125, %dma_start3A_126] : memref<10000x48xf32, #tpu.memory_space<vmem_shared>> -> memref<10000x48xf32, #tpu.memory_space<vmem_shared>>
    %dma_start3A_128 = tpu.memref_slice %arg11[%dma_start3A_118] : memref<4x!tpu.dma_semaphore, #tpu.memory_space<semaphore_mem>> -> memref<1x!tpu.dma_semaphore, #tpu.memory_space<semaphore_mem>>
    %dma_start3A_129 = tpu.memref_squeeze %dma_start3A_128 : memref<1x!tpu.dma_semaphore, #tpu.memory_space<semaphore_mem>> -> memref<!tpu.dma_semaphore, #tpu.memory_space<semaphore_mem>>
    tpu.enqueue_indirect_dma source(%dma_start3A_127 : memref<10000x48xf32, #tpu.memory_space<vmem_shared>>) target(%dma_start3A_122 : memref<128x48xf32, #tpu.memory_space<vmem>>) offsets(%dma_start3A_124 : memref<128xi32, #tpu.memory_space<vmem>>) semaphore(%dma_start3A_129 : memref<!tpu.dma_semaphore, #tpu.memory_space<semaphore_mem>>)
    %dma_start3A_130 = arith.constant 3 : i32
    %dma_start3A_131 = arith.constant 3 : i32
    %dma_start3A_132 = arith.constant 0 : i32
    %dma_start3A_133 = arith.constant 0 : i32
    %dma_start3A_134 = tpu.memref_slice %arg8[%dma_start3A_130, %dma_start3A_132, %dma_start3A_133] : memref<4x128x48xf32, #tpu.memory_space<vmem>> -> memref<1x128x48xf32, #tpu.memory_space<vmem>>
    %dma_start3A_135 = tpu.memref_squeeze %dma_start3A_134 : memref<1x128x48xf32, #tpu.memory_space<vmem>> -> memref<128x48xf32, #tpu.memory_space<vmem>>
    %dma_start3A_136 = arith.constant 384 : i32
    %dma_start3A_137 = tpu.memref_slice %arg6[%dma_start3A_136] : memref<10112xi32, #tpu.memory_space<vmem>> -> memref<128xi32, #tpu.memory_space<vmem>>
    %dma_start3A_138 = arith.constant 0 : i32
    %dma_start3A_139 = arith.constant 0 : i32
    %dma_start3A_140 = tpu.memref_slice %arg10[%dma_start3A_138, %dma_start3A_139] : memref<10000x48xf32, #tpu.memory_space<vmem_shared>> -> memref<10000x48xf32, #tpu.memory_space<vmem_shared>>
    %dma_start3A_141 = tpu.memref_slice %arg11[%dma_start3A_131] : memref<4x!tpu.dma_semaphore, #tpu.memory_space<semaphore_mem>> -> memref<1x!tpu.dma_semaphore, #tpu.memory_space<semaphore_mem>>
    %dma_start3A_142 = tpu.memref_squeeze %dma_start3A_141 : memref<1x!tpu.dma_semaphore, #tpu.memory_space<semaphore_mem>> -> memref<!tpu.dma_semaphore, #tpu.memory_space<semaphore_mem>>
    tpu.enqueue_indirect_dma source(%dma_start3A_140 : memref<10000x48xf32, #tpu.memory_space<vmem_shared>>) target(%dma_start3A_135 : memref<128x48xf32, #tpu.memory_space<vmem>>) offsets(%dma_start3A_137 : memref<128xi32, #tpu.memory_space<vmem>>) semaphore(%dma_start3A_142 : memref<!tpu.dma_semaphore, #tpu.memory_space<semaphore_mem>>)
    %scan3A = arith.constant 0 : i32
    %scan3A_143 = arith.constant 0 : i32
    %scan3A_144 = arith.constant 79 : i32
    %scan3A_145 = arith.addi %scan3A_143, %scan3A_144 : i32
    %scan3A_146 = arith.constant 1 : i32
    scf.for %scan3A_153 = %scan3A_143 to %scan3A_145 step %scan3A_146  : i32 {
      %rem3A = arith.constant 4 : i32
      %rem3A_154 = arith.remsi %scan3A_153, %rem3A : i32
      %mul3A_155 = arith.constant 128 : i32
      %mul3A_156 = arith.muli %scan3A_153, %mul3A_155 : i32
      %dma_wait3A = arith.constant 0 : i32
      %dma_wait3A_157 = arith.constant 0 : i32
      %dma_wait3A_158 = tpu.memref_slice %arg8[%rem3A_154, %dma_wait3A, %dma_wait3A_157] : memref<4x128x48xf32, #tpu.memory_space<vmem>> -> memref<1x128x48xf32, #tpu.memory_space<vmem>>
      %dma_wait3A_159 = tpu.memref_squeeze %dma_wait3A_158 : memref<1x128x48xf32, #tpu.memory_space<vmem>> -> memref<128x48xf32, #tpu.memory_space<vmem>>
      %dma_wait3A_160 = tpu.memref_slice %arg6[%mul3A_156] : memref<10112xi32, #tpu.memory_space<vmem>> -> memref<128xi32, #tpu.memory_space<vmem>>
      %dma_wait3A_161 = arith.constant 0 : i32
      %dma_wait3A_162 = arith.constant 0 : i32
      %dma_wait3A_163 = tpu.memref_slice %arg10[%dma_wait3A_161, %dma_wait3A_162] : memref<10000x48xf32, #tpu.memory_space<vmem_shared>> -> memref<10000x48xf32, #tpu.memory_space<vmem_shared>>
      %dma_wait3A_164 = tpu.memref_slice %arg11[%rem3A_154] : memref<4x!tpu.dma_semaphore, #tpu.memory_space<semaphore_mem>> -> memref<1x!tpu.dma_semaphore, #tpu.memory_space<semaphore_mem>>
      %dma_wait3A_165 = tpu.memref_squeeze %dma_wait3A_164 : memref<1x!tpu.dma_semaphore, #tpu.memory_space<semaphore_mem>> -> memref<!tpu.dma_semaphore, #tpu.memory_space<semaphore_mem>>
      tpu.wait_indirect_dma semaphore(%dma_wait3A_165 : memref<!tpu.dma_semaphore, #tpu.memory_space<semaphore_mem>>) src(%dma_wait3A_163 : memref<10000x48xf32, #tpu.memory_space<vmem_shared>>) dst(%dma_wait3A_159 : memref<128x48xf32, #tpu.memory_space<vmem>>)
      %mul3A_166 = arith.constant 128 : i32
      %mul3A_167 = arith.muli %scan3A_153, %mul3A_166 : i32
      "tpu.region"() ({
        %run_scoped3A_172 = tpu.sem_alloc : memref<!tpu.dma_semaphore, #tpu.memory_space<semaphore_mem>>
        %dma_start3A_173 = arith.constant 0 : i32
        %dma_start3A_174 = arith.constant 0 : i32
        %dma_start3A_175 = tpu.memref_slice %arg8[%rem3A_154, %dma_start3A_173, %dma_start3A_174] : memref<4x128x48xf32, #tpu.memory_space<vmem>> -> memref<1x128x48xf32, #tpu.memory_space<vmem>>
        %dma_start3A_176 = tpu.memref_squeeze %dma_start3A_175 : memref<1x128x48xf32, #tpu.memory_space<vmem>> -> memref<128x48xf32, #tpu.memory_space<vmem>>
        %dma_start3A_177 = tpu.memref_slice %arg7[%mul3A_167] : memref<10112xi32, #tpu.memory_space<vmem>> -> memref<128xi32, #tpu.memory_space<vmem>>
        %dma_start3A_178 = arith.constant 0 : i32
        %dma_start3A_179 = arith.constant 0 : i32
        %dma_start3A_180 = tpu.memref_slice %arg9[%dma_start3A_178, %dma_start3A_179] : memref<10240x48xf32, #tpu.memory_space<vmem_shared>> -> memref<10240x48xf32, #tpu.memory_space<vmem_shared>>
        tpu.enqueue_indirect_dma source(%dma_start3A_176 : memref<128x48xf32, #tpu.memory_space<vmem>>) target(%dma_start3A_180 : memref<10240x48xf32, #tpu.memory_space<vmem_shared>>) offsets(%dma_start3A_177 : memref<128xi32, #tpu.memory_space<vmem>>) semaphore(%run_scoped3A_172 : memref<!tpu.dma_semaphore, #tpu.memory_space<semaphore_mem>>) {add = true}
        %dma_wait3A_181 = arith.constant 0 : i32
        %dma_wait3A_182 = arith.constant 0 : i32
        %dma_wait3A_183 = tpu.memref_slice %arg8[%rem3A_154, %dma_wait3A_181, %dma_wait3A_182] : memref<4x128x48xf32, #tpu.memory_space<vmem>> -> memref<1x128x48xf32, #tpu.memory_space<vmem>>
        %dma_wait3A_184 = tpu.memref_squeeze %dma_wait3A_183 : memref<1x128x48xf32, #tpu.memory_space<vmem>> -> memref<128x48xf32, #tpu.memory_space<vmem>>
        %dma_wait3A_185 = tpu.memref_slice %arg7[%mul3A_167] : memref<10112xi32, #tpu.memory_space<vmem>> -> memref<128xi32, #tpu.memory_space<vmem>>
        %dma_wait3A_186 = arith.constant 0 : i32
        %dma_wait3A_187 = arith.constant 0 : i32
        %dma_wait3A_188 = tpu.memref_slice %arg9[%dma_wait3A_186, %dma_wait3A_187] : memref<10240x48xf32, #tpu.memory_space<vmem_shared>> -> memref<10240x48xf32, #tpu.memory_space<vmem_shared>>
        tpu.wait_indirect_dma semaphore(%run_scoped3A_172 : memref<!tpu.dma_semaphore, #tpu.memory_space<semaphore_mem>>) src(%dma_wait3A_184 : memref<128x48xf32, #tpu.memory_space<vmem>>) dst(%dma_wait3A_188 : memref<10240x48xf32, #tpu.memory_space<vmem_shared>>)
        tpu.yield
      }) : () -> ()
      %add3A_168 = arith.constant 4 : i32
      %add3A_169 = arith.addi %scan3A_153, %add3A_168 : i32
      %lt3A = arith.constant 79 : i32
      %lt3A_170 = arith.cmpi slt, %add3A_169, %lt3A : i32
      %convert_element_type3A = arith.extui %lt3A_170 : i1 to i32
      %cond3A = arith.constant 0 : i32
      %cond3A_171 = arith.cmpi ne, %convert_element_type3A, %cond3A : i32
      scf.if %cond3A_171 {
        %add3A_172 = arith.constant 4 : i32
        %add3A_173 = arith.addi %scan3A_153, %add3A_172 : i32
        %mul3A_174 = arith.constant 128 : i32
        %mul3A_175 = arith.muli %add3A_173, %mul3A_174 : i32
        %dma_start3A_176 = arith.constant 0 : i32
        %dma_start3A_177 = arith.constant 0 : i32
        %dma_start3A_178 = tpu.memref_slice %arg8[%rem3A_154, %dma_start3A_176, %dma_start3A_177] : memref<4x128x48xf32, #tpu.memory_space<vmem>> -> memref<1x128x48xf32, #tpu.memory_space<vmem>>
        %dma_start3A_179 = tpu.memref_squeeze %dma_start3A_178 : memref<1x128x48xf32, #tpu.memory_space<vmem>> -> memref<128x48xf32, #tpu.memory_space<vmem>>
        %dma_start3A_180 = tpu.memref_slice %arg6[%mul3A_175] : memref<10112xi32, #tpu.memory_space<vmem>> -> memref<128xi32, #tpu.memory_space<vmem>>
        %dma_start3A_181 = arith.constant 0 : i32
        %dma_start3A_182 = arith.constant 0 : i32
        %dma_start3A_183 = tpu.memref_slice %arg10[%dma_start3A_181, %dma_start3A_182] : memref<10000x48xf32, #tpu.memory_space<vmem_shared>> -> memref<10000x48xf32, #tpu.memory_space<vmem_shared>>
        %dma_start3A_184 = tpu.memref_slice %arg11[%rem3A_154] : memref<4x!tpu.dma_semaphore, #tpu.memory_space<semaphore_mem>> -> memref<1x!tpu.dma_semaphore, #tpu.memory_space<semaphore_mem>>
        %dma_start3A_185 = tpu.memref_squeeze %dma_start3A_184 : memref<1x!tpu.dma_semaphore, #tpu.memory_space<semaphore_mem>> -> memref<!tpu.dma_semaphore, #tpu.memory_space<semaphore_mem>>
        tpu.enqueue_indirect_dma source(%dma_start3A_183 : memref<10000x48xf32, #tpu.memory_space<vmem_shared>>) target(%dma_start3A_179 : memref<128x48xf32, #tpu.memory_space<vmem>>) offsets(%dma_start3A_180 : memref<128xi32, #tpu.memory_space<vmem>>) semaphore(%dma_start3A_185 : memref<!tpu.dma_semaphore, #tpu.memory_space<semaphore_mem>>)
      } else {
      }
    }
    %scan3A_147 = arith.constant 79 : i32
    %barrier3A_148 = arith.constant 0 : index
    tpu.barrier barrier_id(%barrier3A_148)
    %mul3A_149 = arith.constant 640 : i32
    %mul3A_150 = arith.muli %arg1, %mul3A_149 : i32
    %mul3A_151 = arith.constant 640 : i32
    %mul3A_152 = arith.muli %arg1, %mul3A_151 : i32
    "tpu.region"() ({
      %run_scoped3A_153 = tpu.sem_alloc : memref<!tpu.dma_semaphore, #tpu.memory_space<semaphore_mem>>
      %dma_start3A_154 = arith.constant 0 : i32
      %dma_start3A_155 = tpu.memref_slice %arg5[%arg0, %mul3A_152, %dma_start3A_154] : memref<2x10240x48xf32, #tpu.memory_space<hbm>> -> memref<1x640x48xf32, #tpu.memory_space<hbm>>
      %dma_start3A_156 = tpu.memref_squeeze %dma_start3A_155 : memref<1x640x48xf32, #tpu.memory_space<hbm>> -> memref<640x48xf32, #tpu.memory_space<hbm>>
      %dma_start3A_157 = arith.constant 0 : i32
      %dma_start3A_158 = tpu.memref_slice %arg9[%mul3A_150, %dma_start3A_157] : memref<10240x48xf32, #tpu.memory_space<vmem_shared>> -> memref<640x48xf32, #tpu.memory_space<vmem_shared>>
      tpu.enqueue_dma source(%dma_start3A_158 : memref<640x48xf32, #tpu.memory_space<vmem_shared>>) target(%dma_start3A_156 : memref<640x48xf32, #tpu.memory_space<hbm>>) target_semaphore(%run_scoped3A_153 : memref<!tpu.dma_semaphore, #tpu.memory_space<semaphore_mem>>)
      %dma_wait3A = arith.constant 0 : i32
      %dma_wait3A_159 = tpu.memref_slice %arg5[%arg0, %mul3A_152, %dma_wait3A] : memref<2x10240x48xf32, #tpu.memory_space<hbm>> -> memref<1x640x48xf32, #tpu.memory_space<hbm>>
      %dma_wait3A_160 = tpu.memref_squeeze %dma_wait3A_159 : memref<1x640x48xf32, #tpu.memory_space<hbm>> -> memref<640x48xf32, #tpu.memory_space<hbm>>
      %dma_wait3A_161 = arith.constant 0 : i32
      %dma_wait3A_162 = tpu.memref_slice %arg9[%mul3A_150, %dma_wait3A_161] : memref<10240x48xf32, #tpu.memory_space<vmem_shared>> -> memref<640x48xf32, #tpu.memory_space<vmem_shared>>
      tpu.wait_dma2 semaphore(%run_scoped3A_153 : memref<!tpu.dma_semaphore, #tpu.memory_space<semaphore_mem>>) src(%dma_wait3A_162 : memref<640x48xf32, #tpu.memory_space<vmem_shared>>) dst(%dma_wait3A_160 : memref<640x48xf32, #tpu.memory_space<hbm>>)
      tpu.yield
    }) : () -> ()
    return
  }
}

module attributes {stable_mosaic.version = 14 : i64} {
  func.func @_proj_body(%arg0: i32, %arg1: memref<1000x128xf32, #tpu.memory_space<vmem>>, %arg2: memref<128x128xf32, #tpu.memory_space<vmem>>, %arg3: memref<1x128xf32, #tpu.memory_space<vmem>>, %arg4: memref<128x48xf32, #tpu.memory_space<vmem>>, %arg5: memref<1x48xf32, #tpu.memory_space<vmem>>, %arg6: memref<1000x48xf32, #tpu.memory_space<vmem>>) attributes {dimension_semantics = [#tpu.dimension_semantics<arbitrary>], iteration_bounds = array<i64: 10>, scalar_prefetch = 0 : i64, scratch_operands = 0 : i64, tpu.core_type = #tpu.core_type<tc>, window_params = [{transform_indices = @transform_0, window_bounds = array<i64: 1000, 128>}, {pipeline_mode = #tpu.pipeline_mode<synchronous>, transform_indices = @transform_1, window_bounds = array<i64: 128, 128>}, {pipeline_mode = #tpu.pipeline_mode<synchronous>, transform_indices = @transform_2, window_bounds = array<i64: 1, 128>}, {pipeline_mode = #tpu.pipeline_mode<synchronous>, transform_indices = @transform_3, window_bounds = array<i64: 128, 48>}, {pipeline_mode = #tpu.pipeline_mode<synchronous>, transform_indices = @transform_4, window_bounds = array<i64: 1, 48>}, {transform_indices = @transform_5, window_bounds = array<i64: 1000, 48>}]} {
    %get3A = arith.constant 0 : index
    %get3A_0 = arith.constant 0 : index
    %get3A_1 = vector.load %arg1[%get3A, %get3A_0] : memref<1000x128xf32, #tpu.memory_space<vmem>>, vector<1000x128xf32>
    %get3A_2 = arith.constant 0 : index
    %get3A_3 = arith.constant 0 : index
    %get3A_4 = vector.load %arg2[%get3A_2, %get3A_3] : memref<128x128xf32, #tpu.memory_space<vmem>>, vector<128x128xf32>
    %dot_general3A = arith.constant dense<0.000000e+00> : vector<1000x128xf32>
    %dot_general3A_5 = tpu.matmul %get3A_1, %get3A_4, %dot_general3A {dimension_numbers = #tpu.dot_dimension_numbers<[1], [0], [0], [1], [0, 0, 1, 1], [], []>, transpose_lhs_hint = false} : vector<1000x128xf32>, vector<128x128xf32>, vector<1000x128xf32> -> vector<1000x128xf32>
    %get3A_6 = arith.constant 0 : index
    %get3A_7 = arith.constant 0 : index
    %get3A_8 = vector.load %arg3[%get3A_6, %get3A_7] : memref<1x128xf32, #tpu.memory_space<vmem>>, vector<1x128xf32>
    %add3A = vector.broadcast %get3A_8 : vector<1x128xf32> to vector<1000x128xf32>
    %add3A_9 = arith.addf %dot_general3A_5, %add3A : vector<1000x128xf32>
    %max3A = arith.constant 0.000000e+00 : f32
    %max3A_10 = vector.broadcast %max3A : f32 to vector<1000x128xf32>
    %max3A_11 = arith.maximumf %add3A_9, %max3A_10 : vector<1000x128xf32>
    %get3A_12 = arith.constant 0 : index
    %get3A_13 = arith.constant 0 : index
    %get3A_14 = vector.load %arg4[%get3A_12, %get3A_13] : memref<128x48xf32, #tpu.memory_space<vmem>>, vector<128x48xf32>
    %dot_general3A_15 = arith.constant dense<0.000000e+00> : vector<1000x48xf32>
    %dot_general3A_16 = tpu.matmul %max3A_11, %get3A_14, %dot_general3A_15 {dimension_numbers = #tpu.dot_dimension_numbers<[1], [0], [0], [1], [0, 0, 1, 1], [], []>, transpose_lhs_hint = false} : vector<1000x128xf32>, vector<128x48xf32>, vector<1000x48xf32> -> vector<1000x48xf32>
    %get3A_17 = arith.constant 0 : index
    %get3A_18 = arith.constant 0 : index
    %get3A_19 = vector.load %arg5[%get3A_17, %get3A_18] : memref<1x48xf32, #tpu.memory_space<vmem>>, vector<1x48xf32>
    %add3A_20 = vector.broadcast %get3A_19 : vector<1x48xf32> to vector<1000x48xf32>
    %add3A_21 = arith.addf %dot_general3A_16, %add3A_20 : vector<1000x48xf32>
    %swap3A = arith.constant 0 : index
    %swap3A_22 = arith.constant 0 : index
    %swap3A_23 = vector.load %arg6[%swap3A, %swap3A_22] : memref<1000x48xf32, #tpu.memory_space<vmem>>, vector<1000x48xf32>
    tpu.vector_store %arg6[%swap3A, %swap3A_22], %add3A_21 {strides = array<i32>} : memref<1000x48xf32, #tpu.memory_space<vmem>>, vector<1000x48xf32>,
    return
  }
  func.func @transform_0(%arg0: i32) -> (i32, i32) {
    %c0_i32 = arith.constant 0 : i32
    %c0_i32_0 = arith.constant 0 : i32
    return %arg0, %c0_i32 : i32, i32
  }
  func.func @transform_1(%arg0: i32) -> (i32, i32) {
    %c0_i32 = arith.constant 0 : i32
    %c0_i32_0 = arith.constant 0 : i32
    %c0_i32_1 = arith.constant 0 : i32
    return %c0_i32, %c0_i32_0 : i32, i32
  }
  func.func @transform_2(%arg0: i32) -> (i32, i32) {
    %c0_i32 = arith.constant 0 : i32
    %c0_i32_0 = arith.constant 0 : i32
    %c0_i32_1 = arith.constant 0 : i32
    return %c0_i32, %c0_i32_0 : i32, i32
  }
  func.func @transform_3(%arg0: i32) -> (i32, i32) {
    %c0_i32 = arith.constant 0 : i32
    %c0_i32_0 = arith.constant 0 : i32
    %c0_i32_1 = arith.constant 0 : i32
    return %c0_i32, %c0_i32_0 : i32, i32
  }
  func.func @transform_4(%arg0: i32) -> (i32, i32) {
    %c0_i32 = arith.constant 0 : i32
    %c0_i32_0 = arith.constant 0 : i32
    %c0_i32_1 = arith.constant 0 : i32
    return %c0_i32, %c0_i32_0 : i32, i32
  }
  func.func @transform_5(%arg0: i32) -> (i32, i32) {
    %c0_i32 = arith.constant 0 : i32
    %c0_i32_0 = arith.constant 0 : i32
    return %arg0, %c0_i32 : i32, i32
  }
}

module attributes {stable_mosaic.version = 14 : i64} {
  func.func @_finalize_body(%arg0: memref<2x10240x48xf32, #tpu.memory_space<any>>, %arg1: memref<1x41xf32, #tpu.memory_space<vmem>>, %arg2: memref<10000x41xf32, #tpu.memory_space<vmem>>, %arg3: memref<2x10240x48xf32, #tpu.memory_space<vmem>>, %arg4: memref<!tpu.dma_semaphore, #tpu.memory_space<semaphore_mem>>) attributes {dimension_semantics = [], scalar_prefetch = 0 : i64, scratch_operands = 2 : i64, tpu.core_type = #tpu.core_type<tc>} {
    tpu.enqueue_dma source(%arg0 : memref<2x10240x48xf32, #tpu.memory_space<any>>) target(%arg3 : memref<2x10240x48xf32, #tpu.memory_space<vmem>>) target_semaphore(%arg4 : memref<!tpu.dma_semaphore, #tpu.memory_space<semaphore_mem>>)
    tpu.wait_dma2 semaphore(%arg4 : memref<!tpu.dma_semaphore, #tpu.memory_space<semaphore_mem>>) src(%arg0 : memref<2x10240x48xf32, #tpu.memory_space<any>>) dst(%arg3 : memref<2x10240x48xf32, #tpu.memory_space<vmem>>)
    %get3A = arith.constant 0 : index
    %get3A_0 = arith.constant 0 : index
    %get3A_1 = arith.constant 0 : index
    %get3A_2 = vector.load %arg3[%get3A, %get3A_0, %get3A_1] : memref<2x10240x48xf32, #tpu.memory_space<vmem>>, vector<1x10000x48xf32>
    %get3A_3 = vector.shape_cast %get3A_2 : vector<1x10000x48xf32> to vector<10000x48xf32>
    %get3A_4 = arith.constant 1 : index
    %get3A_5 = arith.constant 0 : index
    %get3A_6 = arith.constant 0 : index
    %get3A_7 = vector.load %arg3[%get3A_4, %get3A_5, %get3A_6] : memref<2x10240x48xf32, #tpu.memory_space<vmem>>, vector<1x10000x48xf32>
    %get3A_8 = vector.shape_cast %get3A_7 : vector<1x10000x48xf32> to vector<10000x48xf32>
    %add3A = arith.addf %get3A_3, %get3A_8 : vector<10000x48xf32>
    %slice3A = vector.extract_strided_slice %add3A {offsets = [0, 41], sizes = [10000, 1], strides = [1, 1]} : vector<10000x48xf32> to vector<10000x1xf32>
    %max3A = arith.constant 1.000000e+00 : f32
    %max3A_9 = vector.broadcast %max3A : f32 to vector<10000x1xf32>
    %max3A_10 = arith.maximumf %slice3A, %max3A_9 : vector<10000x1xf32>
    %slice3A_11 = vector.extract_strided_slice %add3A {offsets = [0, 0], sizes = [10000, 41], strides = [1, 1]} : vector<10000x48xf32> to vector<10000x41xf32>
    %div3A = vector.broadcast %max3A_10 : vector<10000x1xf32> to vector<10000x41xf32>
    %div3A_12 = arith.divf %slice3A_11, %div3A : vector<10000x41xf32>
    %get3A_13 = arith.constant 0 : index
    %get3A_14 = arith.constant 0 : index
    %get3A_15 = vector.load %arg1[%get3A_13, %get3A_14] : memref<1x41xf32, #tpu.memory_space<vmem>>, vector<1x41xf32>
    %add3A_16 = vector.broadcast %get3A_15 : vector<1x41xf32> to vector<10000x41xf32>
    %add3A_17 = arith.addf %div3A_12, %add3A_16 : vector<10000x41xf32>
    %swap3A = arith.constant 0 : index
    %swap3A_18 = arith.constant 0 : index
    %swap3A_19 = vector.load %arg2[%swap3A, %swap3A_18] : memref<10000x41xf32, #tpu.memory_space<vmem>>, vector<10000x41xf32>
    tpu.vector_store %arg2[%swap3A, %swap3A_18], %add3A_17 {strides = array<i32>} : memref<10000x41xf32, #tpu.memory_space<vmem>>, vector<10000x41xf32>,
    return
  }
}

</mosaic_0001>

<sc_bundles>
// kernel: kernel.5.cloned.1.call-start
scs
__scs_entry_jumppad:
0x0: {  	(pc) =	sbr.rel $0x88, $3  }
0x1: {  	(tag) =	ssettag $0x0;
	lr =	simm.s32 $0x1  }
0x2: {  	[smem:$0x3F9B] =	sst lr;
	_ =	strace $0xD0000000  }
0x3: {  	_ = 	snop  }
0x4: {  	_ = 	snop  }
0x5: {  	_ = 	snop  }
0x6: {  	_ = 	snop  }
0x7: {  	_ = 	snop  }
__scs_overlays_trampoline_lowered:
0x8: {  	[smem:$0x3FAA] =	sst s0  }
0x9: {  	[smem:$0x3FAB] =	sst s1  }
0xa: {  	[smem:$0x3FAC] =	sst s2  }
0xb: {  	[smem:$0x3FAD] =	sst s3  }
0xc: {  	[smem:$0x3FAE] =	sst s4  }
0xd: {  	[smem:$0x3FAF] =	sst s5  }
0xe: {  	[smem:$0x3FB0] =	sst s6  }
0xf: {  	[smem:$0x3FB1] =	sst s7  }
0x10: {  	[smem:$0x3FB2] =	sst s8  }
0x11: {  	[smem:$0x3FB3] =	sst s9;
	s0 =	simm.s32 @!p0 $0x0  }
0x12: {  	s1 =	sld [smem:$0x3F99];
	s0 =	simm.s32 @p0 $0x1  }
0x13: {  	[smem:$0x3FB4] =	sst s0;
	s0 =	simm.s32 @!p1 $0x0  }
0x14: {  	s2 =	sld [smem:$0x3F98];
	s0 =	simm.s32 @p1 $0x1  }
0x15: {  	[smem:$0x3FB5] =	sst s0;
	s0 =	simm.s32 @!p2 $0x0  }
0x16: {  	s3 =	sld [smem:$0x3FDB];
	s0 =	simm.s32 @p2 $0x1  }
0x17: {  	s4 =	simm.s32 $0x1BF5;
	[smem:$0x3FB7] =	sst s0  }
0x18: {  	s0 =	sld [smem:$0x3F9A];
	_ =	swait.ge [sflag:s4], $0x0  }
0x19: {  	s7 =	sld [smem:$0x3F9B]  }
0x1a: {  	s8 =	sadd.s32 $0xFFFFE003, lr  }
0x1b: {  	s9 =	sadd.s32 $0xFFFFFEF7, lr;
	s5 =	simm.s32 $0xFFFFFFFF;
	p2 =	slt.u32 s8, $0xFFFFF086  }
0x1c: {  	p1 =	slt.u32 s9, $0xF7A;
	s5 =	simm.s32 @!p2 $0x0  }
0x1d: {  	s5 =	simm.s32 @p1 $0x1;
	p0 =	seq.s32 s7, s2  }
0x1e: {  	s7 =	smul.u32 @!p0 $0xF7A, s2;
	p2 =	seq.s32 @!p0 s5, $0x0  }
0x1f: {  	s9 =	smul.u32 $0xF7A, s1;
	s8 =	simm.s32 @!p0 $0x1BF5;
	p2 =	por !p2, p0  }
0x20: {  	[sflag:s8] =	ssyncset.s32 @!p0 $0xFFFFF086;
	s6 =	sadd.s32 @!p0 s3, s7;
	s7 =	simm.s32 @!p0 $0x108  }
0x21: {  	s3 =	sadd.s32 s3, s9;
	s6 =	sadd.s32 @!p0 $0x88, s6;
	s7 =	simm.s32 @p2 $0x1082  }
0x22: {  	[simem:s7], [sflag:s8] =	dma.local @!p0 [hbm:s6], $0xF7A  }
0x23: {  	s9 =	sor.u32 $0xD0000000, s2;
	s6 =	simm.s32 $0x108;
	_ =	swait.ge @!p0 [sflag:s8], $0x0  }
0x24: {  	s3 =	sadd.s32 $0x88, s3;
	s6 =	simm.s32 @!p1 $0x1082;
	[sflag:s4] =	ssyncset.s32 $0xFFFFF086  }
0x25: {  	[simem:s6], [sflag:s4] =	dma.local [hbm:s3], $0xF7A  }
0x26: {  	[smem:$0x3F9B] =	sst s1;
	(tag) =	ssettag s2;
	_ =	strace s9  }
0x27: {  	s1 =	sld [smem:$0x3FAB]  }
0x28: {  	s2 =	sld [smem:$0x3FAC]  }
0x29: {  	s4 =	sld [smem:$0x3FAE]  }
0x2a: {  	p0 =	seq.s32 s5, $0x0;
	s5 =	sld [smem:$0x3FAF]  }
0x2b: {  	s6 =	sld [smem:$0x3FB0]  }
0x2c: {  	s7 =	sld [smem:$0x3FB1]  }
0x2d: {  	s3 =	simm.s32 $0x108;
	s8 =	sld [smem:$0x3FB2]  }
0x2e: {  	s3 =	simm.s32 @!p0 $0x1082;
	s9 =	sld [smem:$0x3FB3]  }
0x2f: {  	lr =	sadd.s32 s0, s3;
	s0 =	sld [smem:$0x3FAA]  }
0x30: {  	s3 =	sld [smem:$0x3FAD]  }
0x31: {  	[smem:$0x3FB6] =	sst s10  }
0x32: {  	s10 =	sld [smem:$0x3FB4];
	_ =	sdelay $0x3  }
0x33: {  	p0 =	seq.s32 s10, $0x1;
	s10 =	sld [smem:$0x3FB6];
	_ =	sdelay $0x3  }
0x34: {  	[smem:$0x3FB6] =	sst s10  }
0x35: {  	s10 =	sld [smem:$0x3FB5];
	_ =	sdelay $0x3  }
0x36: {  	p1 =	seq.s32 s10, $0x1;
	s10 =	sld [smem:$0x3FB6];
	_ =	sdelay $0x3  }
0x37: {  	[smem:$0x3FB6] =	sst s10  }
0x38: {  	s10 =	sld [smem:$0x3FB7]  }
0x39: {  	_ = 	snop;
	(pc) =	sbr.ind lr, $3  }
0x3a: {  	_ = 	snop  }
0x3b: {  	_ = 	snop  }
0x3c: {  	p2 =	seq.s32 s10, $0x1;
	s10 =	sld [smem:$0x3FB6]  }
0x3d: {  	_ =	shalt  }
0x3e: {  	_ =	shalt  }
0x3f: {  	_ =	shalt  }
0x40: {  	_ =	shalt  }
0x41: {  	_ =	shalt  }
0x42: {  	_ =	shalt  }
0x43: {  	_ =	shalt  }
0x44: {  	_ =	shalt  }
0x45: {  	_ =	shalt  }
0x46: {  	_ =	shalt  }
0x47: {  	_ =	shalt  }
0x48: {  	_ =	shalt  }
0x49: {  	_ =	shalt  }
0x4a: {  	_ =	shalt  }
0x4b: {  	_ =	shalt  }
0x4c: {  	_ =	shalt  }
0x4d: {  	_ =	shalt  }
0x4e: {  	_ =	shalt  }
0x4f: {  	_ =	shalt  }
0x50: {  	_ =	shalt  }
0x51: {  	_ =	shalt  }
0x52: {  	_ =	shalt  }
0x53: {  	_ =	shalt  }
0x54: {  	_ =	shalt  }
0x55: {  	_ =	shalt  }
0x56: {  	_ =	shalt  }
0x57: {  	_ =	shalt  }
0x58: {  	_ =	shalt  }
0x59: {  	_ =	shalt  }
0x5a: {  	_ =	shalt  }
0x5b: {  	_ =	shalt  }
0x5c: {  	_ =	shalt  }
0x5d: {  	_ =	shalt  }
0x5e: {  	_ =	shalt  }
0x5f: {  	_ =	shalt  }
0x60: {  	_ =	shalt  }
0x61: {  	_ =	shalt  }
0x62: {  	_ =	shalt  }
0x63: {  	_ =	shalt  }
0x64: {  	_ =	shalt  }
0x65: {  	_ =	shalt  }
0x66: {  	_ =	shalt  }
0x67: {  	_ =	shalt  }
0x68: {  	_ =	shalt  }
0x69: {  	_ =	shalt  }
0x6a: {  	_ =	shalt  }
0x6b: {  	_ =	shalt  }
0x6c: {  	_ =	shalt  }
0x6d: {  	_ =	shalt  }
0x6e: {  	_ =	shalt  }
0x6f: {  	_ =	shalt  }
0x70: {  	_ =	shalt  }
0x71: {  	_ =	shalt  }
0x72: {  	_ =	shalt  }
0x73: {  	_ =	shalt  }
0x74: {  	_ =	shalt  }
0x75: {  	_ =	shalt  }
0x76: {  	_ =	shalt  }
0x77: {  	_ =	shalt  }
0x78: {  	_ =	shalt  }
0x79: {  	_ =	shalt  }
0x7a: {  	_ =	shalt  }
0x7b: {  	_ =	shalt  }
0x7c: {  	_ =	shalt  }
0x7d: {  	_ =	shalt  }
0x7e: {  	_ =	shalt  }
0x7f: {  	_ =	shalt  }
0x80: {  	_ =	shalt  }
0x81: {  	_ =	shalt  }
0x82: {  	_ =	shalt  }
0x83: {  	_ =	shalt  }
0x84: {  	_ =	shalt  }
0x85: {  	_ =	shalt  }
0x86: {  	_ =	shalt  }
0x87: {  	_ =	shalt  }
.Lfunc_end0:
.L_simem_size_0:
called_computation_lowered:
.L_overlay_start_0:
0x88: {  	s2 =	sld [smem:$0x3FD9]  }
0x89: {  	s3 =	sld [smem:$0x3FFE];
	_ =	sdelay $0x1  }
0x8a: {  	s1 =	srdreg.scid  }
0x8b: {  	s0 =	sand.u32 $0x1, s1  }
0x8c: {  	s17 =	sshll.u32 s0, $0xA;
	s2 =	sadd.s32 s3, s2  }
0x8d: {  	s2 =	sadd.s32 s2, s17  }
0x8e: {  	[smem:$0x3FC2] =	sst s2  }
0x8f: {  	_ = 	snop  }
0x90: {  	s2 =	sld [smem:$0x3FD0];
	(tm) =	ssettm $0x1  }
0x91: {  	s18 =	sld [smem:$0x3FFB];
	_ =	sdelay $0x3  }
0x92: {  	_ =	strace s18  }
0x93: {  	s3 =	sld [smem:$0x3FFC];
	_ =	sdelay $0x3  }
0x94: {  	_ =	strace s3  }
0x95: {  	s3 =	sld [smem:$0x3FFD];
	_ =	sdelay $0x3  }
0x96: {  	_ =	strace s3  }
0x97: {  	_ =	strace $0x8FFFFFFF  }
0x98: {  	s19 =	sld [smem:$0x3FDB];
	_ =	sdelay $0x1  }
0x99: {  	s4 =	simm.s32 $_scs_section_size  }
0x9a: {  	s5 =	simm.s32 $_size__tile_overlayer_lowered;
	s6 =	simm.s32 $_tile_overlayer_lowered  }
0x9b: {  	s22 =	simm.s32 $0x1BFF;
	s21 =	sshll.u32 s6, $0x1;
	s3 =	sadd.s32 s4, s19  }
0x9c: {  	s7 =	simm.s32 $0x0;
	s20 =	sshll.u32 s5, $0x1;
	s5 =	sadd.s32 s21, s3  }
0x9d: {  	[timem:s7], [sflag:s22] =	dma.local [hbm:s5], s20  }
0x9e: {  	_ =	swait.ge [sflag:s22], s20  }
0x9f: {  	s4 =	ssub.s32 $0x0, s20;
	[sflag:s22] =	ssyncset.done $0x0  }
0xa0: {  	[sflag:s22] =	ssyncadd.s32 s4;
	_ =	sdelay $0x1  }
0xa1: {  	s23 =	simm.s32 $0x1B8B  }
0xa2: {  	_ =	swait.ge [sflag:s23], $0x1  }
0xa3: {  	[sflag:s23] =	ssyncset.done $0x0  }
0xa4: {  	s25 =	simm.s32 $0x1B8E;
	s24 =	sld [smem:$0x3FFE];
	[sflag:s23] =	ssyncadd.s32 $0xFFFFFFFF  }
0xa5: {  	s26 =	simm.s32 $execute0_lowered;
	[smem:$0x3FD2] =	sst s25  }
0xa6: {  	s5 =	sshll.u32 s26, $0x1;
	_ =	strace $0x80000046;
	[dreg:$0x1] =	wrdreg $0xFFFFFFFF  }
0xa7: {  	s28 =	simm.s32 $_size_execute0_lowered;
	s3 =	sadd.s32 s3, s5;
	[dreg:$0x0] =	wrdreg $0x0  }
0xa8: {  	s5 =	sshll.u32 s28, $0x1;
	[dreg:$0x2] =	wrdreg s3  }
0xa9: {  	[dreg:$0x3] =	wrdreg s5  }
0xaa: {  	[dreg:$0x4] =	wrdreg $0xC0  }
0xab: {  	_ =	task [dreg:s7], $0x5FFFF  }
0xac: {  	[dreg:$0x1] =	wrdreg $0xFFFFFFFF  }
0xad: {  	[dreg:$0x0] =	wrdreg $0x60  }
0xae: {  	[dreg:$0x2] =	wrdreg s2  }
0xaf: {  	[dreg:$0x3] =	wrdreg s24  }
0xb0: {  	[dreg:$0x4] =	wrdreg $0xAF000  }
0xb1: {  	[dreg:$0x5] =	wrdreg $0x127000  }
0xb2: {  	[dreg:$0x6] =	wrdreg $0x9  }
0xb3: {  	_ =	task.clear_ibuf [dreg:s7], $0x7FFFF;
	_ =	strace $0x90000046  }
0xb4: {  	s29 =	simm.s32 $0x9;
	_ =	strace $0x80000048  }
0xb5: {  	_ =	swait.ge [sflag:s29], $0x1  }
0xb6: {  	[sflag:s29] =	ssyncadd.s32 $0xFFFFFFFF  }
0xb7: {  	_ =	strace $0x90000048  }
0xb8: {  	_ =	sfence  }
0xb9: {  	s30 =	sld [smem:$0x0];
	_ =	sdelay $0x2  }
0xba: {  	s31 =	sshll.u32 s1, $0xD;
	s1 =	sshrl.u32 s1, $0x2  }
0xbb: {  	s3 =	sand.u32 $0x4000, s31;
	s1 =	sadd.s32 s1, s30  }
0xbc: {  	s0 =	sor.u32 s3, s0;
	s1 =	sshll.u32 s1, $0x11  }
0xbd: {  	s0 =	sor.u32 s1, s0  }
0xbe: {  	s0 =	sadd.s32 $0x8F2B, s0  }
0xbf: {  	[sflag:s0] =	ssyncadd.remote.s32 $0x1  }
0xc0: {  	_ =	sfence.sel $0xFFFF  }
0xc1: {  	[dreg:$0x0] =	wrdreg $0xFFFFFFFF;
	(pc) =	sbr.abs _section_cstart, $3  }
0xc2: {  	[dreg:$0x1] =	wrdreg $0xFFFFFFFF  }
0xc3: {  	_ =	task.clear_ibuf [dreg:s7], $0x2FFFF;
	_ =	strace $0x9FFFFFFF  }
0xc4: {  	(tm) =	ssettm $0x7FFFFFFF  }
0xc5: {  	_ =	shalt  }
tec
execute0_lowered:
.L_overlay_start_1:
0x0: {  	(tag) =	ssettag $0x1  }
0x1: {  	s1 =	rddreg [dreg:$0x0]  }
0x2: {  	s6 =	rddreg [dreg:$0x1]  }
0x3: {  	s0 =	srdreg.scid;
	s2 =	rddreg [dreg:$0x2]  }
0x4: {  	s16 =	simm.s32 $0x4F00;
	s17 =	simm.s32 $0x6700;
	s18 =	simm.s32 $0x100  }
0x5: {  	s19 =	simm.s32 $0x7F00;
	s5 =	sand.u32 $0x1, s0;
	s0 =	stileid.u32  }
0x6: {  	s20 =	simm.s32 $0x180;
	s21 =	simm.s32 $0x9700;
	s8 =	smul.u32 $0x7800, s0  }
0x7: {  	s22 =	simm.s32 $0x0;
	s3 =	sshll.u32 s5, $0x4;
	s9 =	smul.u32 $0x78000, s5  }
0x8: {  	s29 =	ssub.s32 $0x2, s5;
	s12 =	smul.u32 $0x7530, s0;
	s5 =	sadd.s32 $0x13E00, s6  }
0x9: {  	s30 =	sshll.u32 s0, $0x6;
	s4 =	sor.u32 s0, s3;
	s3 =	rddreg [dreg:$0x3]  }
0xa: {  	s11 =	sshrl.u32 s29, $0x1;
	s7 =	smul.u32 $0x2710, s4;
	s4 =	simm.s32 $0x0  }
0xb: {  	s28 =	sadd.s32 s8, s9;
	s11 =	ssub.s32 s29, s11;
	s14 =	sadd.s32 s8, s2  }
0xc: {  	s31 =	sshrl.u32 s12, $0x3;
	s15 =	sadd.s32 s12, s3;
	[smem:$0x7FF] =	sst s4  }
0xd: {  	s11 =	smax.u32 s11, $0x1;
	s12 =	sshrl.u32 s14, $0x3;
	s7 =	sshrl.u32 s7, $0x3  }
0xe: {  	s14 =	sshrl.u32 s15, $0x3;
	s10 =	sadd.s32 s7, s6;
	s7 =	sshrl.u32 s28, $0x3  }
0xf: {  	s15 =	simm.s32 $0x80;
	_ =	strace $0x80000047;
	s13 =	sadd.s32 s7, s6  }
0x10: {  	s6 =	sor.u32 $0x1C05, s30;
	s7 =	sadd.s32 s1, s31;
	s8 =	sadd.s32 $0x400, s10  }
0x11: {  	v0 =	vimm.s32 $0x0;
	v1 =	vimm.s32 $0x2710;
	s9 =	sadd.s32 $0xA040, s10;
	s10 =	sadd.s32 $0x14E00, s13;
	s13 =	simm.s32 $0x5  }
.LBB2_1:
0x12: {  	[tilespmem:$0x2710] =	vst v0  }
0x13: {  	[tilespmem:$0x4E90] =	vst v1  }
0x14: {  	[tilespmem:$0x2720] =	vst v0  }
0x15: {  	[tilespmem:$0x4EA0] =	vst v1  }
0x16: {  	[tilespmem:$0x2730] =	vst v0  }
0x17: {  	[tilespmem:$0x4EB0] =	vst v1  }
0x18: {  	[tilespmem:$0x2740] =	vst v0  }
0x19: {  	[tilespmem:$0x4EC0] =	vst v1  }
0x1a: {  	[tilespmem:$0x2750] =	vst v0  }
0x1b: {  	[tilespmem:$0x4ED0] =	vst v1  }
0x1c: {  	[tilespmem:$0x2760] =	vst v0  }
0x1d: {  	[tilespmem:$0x4EE0] =	vst v1  }
0x1e: {  	[tilespmem:$0x2770] =	vst v0  }
0x1f: {  	[tilespmem:$0x4EF0] =	vst v1  }
0x20: {  	[spmem:s12], [sflag:s6] =	dma.local [hbm:s5], $0xF00  }
0x21: {  	_ =	swait.ge [sflag:s13], $0xF00  }
0x22: {  	[sflag:s13] =	ssyncset.done $0x0  }
0x23: {  	[sflag:s13] =	ssyncadd.s32 $0xFFFFF100  }
0x24: {  	[spmem:s14], [sflag:s6] =	dma.local [hbm:s7], $0xEA6  }
0x25: {  	_ =	swait.ge [sflag:s13], $0xEA6  }
0x26: {  	[sflag:s13] =	ssyncset.done $0x0  }
0x27: {  	[sflag:s13] =	ssyncadd.s32 $0xFFFFF15A  }
0x28: {  	[tilespmem:s4], [sflag:$0x5] =	stream.linear.gather [hbm4b:s8+s4], $0x2710, $0x38;
	[tilespmem:$0x19C30] =	vst v63  }
0x29: {  	_ =	swait.ge [sflag:s13], $0x2710  }
0x2a: {  	[sflag:s13] =	ssyncset.done $0x0  }
0x2b: {  	s1 =	simm.s32 $0x2780;
	[sflag:s13] =	ssyncadd.s32 $0xFFFFD8F0  }
0x2c: {  	[tilespmem:s1], [sflag:$0x5] =	stream.linear.gather [hbm4b:s9+s4], $0x2710, $0x38;
	[tilespmem:$0x19C30] =	vst v63  }
0x2d: {  	_ =	swait.ge [sflag:s13], $0x2710  }
0x2e: {  	[sflag:s13] =	ssyncset.done $0x0  }
0x2f: {  	[sflag:s13] =	ssyncadd.s32 $0xFFFFD8F0  }
0x30: {  	[bflag:$0x0] =	sbarrier.arrive $0xFFFF  }
0x31: {  	[tilespmem:s16], [sflag:$0x1] =	stream.indirect.gather [spmem:s3], $0x30, s4, s15, $0xb8;
	[tilespmem:$0x19C30] =	vst v63  }
0x32: {  	_ = 	snop  }
0x33: {  	[tilespmem:s17], [sflag:$0x2] =	stream.indirect.gather [spmem:s3], $0x30, s15, s15, $0xb8;
	[tilespmem:$0x19C30] =	vst v63  }
0x34: {  	s23 =	sand.u32 $0x3, s4  }
0x35: {  	[tilespmem:s19], [sflag:$0x3] =	stream.indirect.gather [spmem:s3], $0x30, s18, s15, $0xb8;
	[tilespmem:$0x19C30] =	vst v63  }
0x36: {  	s24 =	smul.u32 $0x6000, s23;
	s26 =	sadd.s32 $0x1, s23  }
0x37: {  	[tilespmem:s21], [sflag:$0x4] =	stream.indirect.gather [spmem:s3], $0x30, s20, s15, $0xb8;
	[tilespmem:$0x19C30] =	vst v63  }
0x38: {  	_ =	swait.ge [sflag:s26], $0x1800  }
0x39: {  	s25 =	simm.s32 $0x200;
	s24 =	sshrl.u32 s24, $0x2;
	[sflag:s26] =	ssyncset.done $0x0  }
0x3a: {  	s30 =	simm.s32 $0x2;
	s31 =	sadd.s32 $0x4F00, s24;
	[sflag:s26] =	ssyncadd.s32 $0xFFFFE800  }
0x3b: {  	[spmem:s2] =	stream.indirect.scatter.add.f32 [tilespmem:s31], [sflag:$0x5], $0x30, s1, s15, $0xb8;
	[tilespmem:$0x19C30] =	vst v63  }
0x3c: {  	p1 =	por $0x0, $0x0;
	s23 =	simm.s32 $0x1;
	_ =	swait.ge [sflag:s13], $0x1800  }
0x3d: {  	s28 =	simm.s32 $0x2800;
	s29 =	sand.u32 $0x3, s23;
	[sflag:s13] =	ssyncset.done $0x0  }
0x3e: {  	s24 =	simm.s32 $0x280;
	s1 =	simm.s32 @!p1 $0x80;
	[sflag:s13] =	ssyncadd.s32 $0xFFFFE800  }
.LBB2_2:
0x3f: {  	[tilespmem:s31], [sflag:s26] =	stream.indirect.gather @!p1 [spmem:s3], $0x30, s25, s1, $0xb8;
	[tilespmem:$0x19C30] =	vst v63  }
0x40: {  	s1 =	smov.u32 s23;
	s23 =	smov.u32 s30;
	s25 =	smov.u32 s24  }
0x41: {  	s31 =	smul.u32 $0x6000, s29;
	s26 =	sadd.s32 $0x1, s29;
	s29 =	sand.u32 $0x3, s30  }
0x42: {  	s30 =	sadd.s32 $0x1, s30;
	_ =	swait.ge [sflag:s26], $0x1800  }
0x43: {  	p0 =	sne.s32 s30, $0x4F;
	s31 =	sshrl.u32 s31, $0x2;
	[sflag:s26] =	ssyncset.done $0x0  }
.Ltmp0:
0x44: {  	s31 =	sadd.s32 $0x4F00, s31;
	[sflag:s26] =	ssyncadd.s32 $0xFFFFE800;
	(pc) =	sbr.rel @p0 .LBB2_2-.Ltmp0, $4  }
0x45: {  	[spmem:s2] =	stream.indirect.scatter.add.f32 [tilespmem:s31], [sflag:$0x5], $0x30, s28, s15, $0xb8;
	[tilespmem:$0x19C30] =	vst v63  }
0x46: {  	_ =	swait.ge [sflag:s13], $0x1800  }
0x47: {  	p1 =	sgt.u32 s1, $0x4A;
	s28 =	sadd.s32 $0x80, s28;
	[sflag:s13] =	ssyncset.done $0x0  }
0x48: {  	s24 =	sadd.s32 $0x80, s24;
	s1 =	simm.s32 @!p1 $0x80;
	[sflag:s13] =	ssyncadd.s32 $0xFFFFE800  }
0x49: {  	[tilespmem:s31], [sflag:s26] =	stream.indirect.gather @!p1 [spmem:s3], $0x30, s25, s1, $0xb8;
	[tilespmem:$0x19C30] =	vst v63  }
0x4a: {  	s31 =	smul.u32 $0x6000, s29;
	s25 =	sadd.s32 $0x1, s29  }
0x4b: {  	_ =	swait.ge [sflag:s25], $0x1800  }
0x4c: {  	s1 =	sshrl.u32 s31, $0x2;
	[sflag:s25] =	ssyncset.done $0x0  }
0x4d: {  	s1 =	sadd.s32 $0x4F00, s1;
	[sflag:s25] =	ssyncadd.s32 $0xFFFFE800  }
0x4e: {  	[spmem:s2] =	stream.indirect.scatter.add.f32 [tilespmem:s1], [sflag:$0x5], $0x30, s28, s15, $0xb8;
	[tilespmem:$0x19C30] =	vst v63  }
0x4f: {  	_ =	swait.ge [sflag:s13], $0x1800  }
0x50: {  	p0 =	sgt.u32 s23, $0x4A;
	[sflag:s13] =	ssyncset.done $0x0  }
0x51: {  	s22 =	sadd.s32 $0x1, s22;
	s23 =	simm.s32 @!p0 $0x80;
	[sflag:s13] =	ssyncadd.s32 $0xFFFFE800  }
0x52: {  	[tilespmem:s1], [sflag:s25] =	stream.indirect.gather @!p0 [spmem:s3], $0x30, s24, s23, $0xb8;
	[tilespmem:$0x19C30] =	vst v63  }
0x53: {  	p0 =	sne.s32 s22, s11  }
.Ltmp1:
0x54: {  	[bflag:$0x0] =	sbarrier.arrive $0xFFFF;
	(pc) =	sbr.rel @p0 .LBB2_1-.Ltmp1, $4  }
0x55: {  	[hbm:s10], [sflag:s6] =	dma.local [spmem:s12], $0xF00  }
0x56: {  	_ =	swait.ge [sflag:s13], $0xF00  }
0x57: {  	[sflag:s13] =	ssyncset.done $0x0  }
0x58: {  	[sflag:s13] =	ssyncadd.s32 $0xFFFFF100  }
0x59: {  	_ =	sfence.sel $0x180000  }
0x5a: {  	[bflag:$0x0] =	sbarrier.arrive $0xFFFF  }
0x5b: {  	_ =	strace $0x90000047  }
0x5c: {  	[bflag:$0x2] =	sbarrier.arrive $0xFFFF  }
0x5d: {  	p0 =	sne.s32 s0, $0x0;
	s0 =	rddreg [dreg:$0x4]  }
0x5e: {  	s0 =	sadd.s32 @!p0 $0x100000, s0  }
0x5f: {  	[sflag:s0] =	ssyncadd.tile.s32 @!p0 $0x1;
	_ =	shalt  }
.Lfunc_end2:
_tile_overlayer_lowered:
.L_overlay_start_2:
0x60: {  	(tag) =	ssettag $0x2  }
0x61: {  	s0 =	rddreg [dreg:$0x0];
	s2 =	stileid.u32  }
0x62: {  	s1 =	rddreg [dreg:$0x1];
	p0 =	sne.s32 s2, $0x0  }
0x63: {  	s3 =	rddreg [dreg:$0x2];
	[bflag:$0x3] =	sbarrier.arrive $0xFFFF;
	s2 =	simm.s32 @!p0 $0x1C05  }
0x64: {  	[timem:s3], [sflag:s2] =	dma.local @!p0 [hbm:s0], s1  }
0x65: {  	s0 =	simm.s32 @!p0 $0x5  }
0x66: {  	_ =	swait.ge @!p0 [sflag:s0], s1  }
0x67: {  	s1 =	ssub.s32 @!p0 $0x0, s1;
	[sflag:s0] =	ssyncset.done @!p0 $0x0  }
0x68: {  	[sflag:s0] =	ssyncadd.s32 @!p0 s1  }
0x69: {  	[bflag:$0x3] =	sbarrier.arrive $0xFFFF  }
0x6a: {  	_ =	shalt  }

</sc_bundles>
